<compile_context>
chip_gen: v7x
topology: tpu7x:2x2x1
jax: 0.10.2.dev20260603
libtpu: 0.0.44.dev20260713+nightly
codegen_flags: <defaults>
</compile_context>

<pallas_src>
import functools

import jax
import jax.numpy as jnp
from jax import lax
from jax.experimental import pallas as pl
from jax.experimental.pallas import tpu as pltpu
from jax.experimental.pallas import tpu_sc as plsc


def _sc_tile2(sv, sl, svo, slo, sv_v, sl_v, s0, s1, s2, s3):
    n = sv_v.shape[0]
    half = sv.shape[0]
    wid = lax.axis_index("s") * 2 + lax.axis_index("c")
    base = wid * n

    in_sv = pltpu.make_async_copy(sv.at[pl.ds(base, n)], sv_v, s0)
    in_sl = pltpu.make_async_copy(sl.at[pl.ds(base, n)], sl_v, s1)
    in_sv.start()
    in_sl.start()

    in_sv.wait()
    outs = [
        pltpu.make_async_copy(sv_v, svo.at[pl.ds(base, n)], s2),
        pltpu.make_async_copy(sv_v, svo.at[pl.ds(half + base, n)], s2),
    ]
    outs[0].start()
    outs[1].start()
    in_sl.wait()
    outs.append(pltpu.make_async_copy(sl_v, slo.at[pl.ds(base, n)], s3))
    outs.append(pltpu.make_async_copy(sl_v, slo.at[pl.ds(half + base, n)], s3))
    outs[2].start()
    outs[3].start()
    for c in outs:
        c.wait()


def _tc_tile2(df, lb, dfo, lbo, df_v, lb_v, in_sems, out_sems):
    r_lb = lb_v.shape[0]
    c_df = df_v.shape[1]

    in_df = pltpu.make_async_copy(df, df_v, in_sems.at[0])
    in_lb = pltpu.make_async_copy(lb, lb_v, in_sems.at[1])
    in_df.start()
    in_lb.start()

    outs = []
    in_df.wait()
    for j in range(2):
        outs.append(pltpu.make_async_copy(
            df_v, dfo.at[:, pl.ds(j * c_df, c_df)], out_sems.at[len(outs)]))
        outs[-1].start()
    in_lb.wait()
    for j in range(2):
        outs.append(pltpu.make_async_copy(
            lb_v, lbo.at[pl.ds(j * r_lb, r_lb)], out_sems.at[len(outs)]))
        outs[-1].start()
    for c in outs:
        c.wait()


def kernel(sparse_values, sparse_lengths, dense_features, labels):
    n_sv = sparse_values.shape[0]
    chunk = n_sv // 32
    dft = dense_features.T
    lb2 = labels.reshape(-1, 128)
    r_lb = lb2.shape[0]
    B, D = dense_features.shape

    sc_k = functools.partial(
        pl.kernel,
        out_type=(
            jax.ShapeDtypeStruct((2 * n_sv,), sparse_values.dtype),
            jax.ShapeDtypeStruct((2 * n_sv,), sparse_lengths.dtype),
        ),
        mesh=plsc.VectorSubcoreMesh(core_axis_name="c", subcore_axis_name="s"),
        scratch_types=[
            pltpu.VMEM((chunk,), sparse_values.dtype),
            pltpu.VMEM((chunk,), sparse_lengths.dtype),
            pltpu.SemaphoreType.DMA,
            pltpu.SemaphoreType.DMA,
            pltpu.SemaphoreType.DMA,
            pltpu.SemaphoreType.DMA,
        ],
    )(_sc_tile2)
    svo, slo = sc_k(sparse_values, sparse_lengths)

    dfo, lbo = pl.pallas_call(
        _tc_tile2,
        in_specs=[pl.BlockSpec(memory_space=pl.ANY)] * 2,
        out_specs=[pl.BlockSpec(memory_space=pl.ANY)] * 2,
        out_shape=(
            jax.ShapeDtypeStruct((D, 2 * B), dense_features.dtype),
            jax.ShapeDtypeStruct((2 * r_lb, 128), labels.dtype),
        ),
        scratch_shapes=[
            pltpu.VMEM((D, B), dense_features.dtype),
            pltpu.VMEM((r_lb, 128), labels.dtype),
            pltpu.SemaphoreType.DMA((2,)),
            pltpu.SemaphoreType.DMA((4,)),
        ],
    )(dft, lb2)

    return (
        dfo.T,
        svo,
        slo,
        lbo.reshape(-1),
    )

# --- scband reference (transcript-rebuilt; emitter-appended) ---
"""Pipeline reference for scband-sampling-module-69544110457210 (READ-ONLY COPY).

The authoritative reference and input builder live on the scoring server;
editing this copy changes nothing except your own understanding.
"""

import jax, jax.numpy as jnp
import numpy as np


def setup_inputs(seed: int = 0) -> dict:
    key = jax.random.key(seed)
    k1, k2, k3 = jax.random.split(key, 3)
    batch = 16384
    n_fields = 26
    dense_dim = 13
    vocab = 1000000
    sparse_values = jax.random.randint(k1, (batch * n_fields,), 0, vocab, dtype=jnp.int32)
    sparse_lengths = jnp.ones((batch * n_fields,), dtype=jnp.int32)
    dense_features = jax.random.normal(k2, (batch, dense_dim), dtype=jnp.float32)
    labels = jax.random.uniform(k3, (batch,), dtype=jnp.float32)
    return {
        "sparse_values": sparse_values,
        "sparse_lengths": sparse_lengths,
        "dense_features": dense_features,
        "labels": labels,
    }


def reference(sparse_values, sparse_lengths, dense_features, labels):
    # Faithful translation of SamplingModule.forward:
    # KeyedJaggedTensor.from_lengths_sync(keys, values.repeat(2), lengths.repeat(2))
    # torch .repeat(2) on a 1-D tensor tiles the whole tensor twice.
    new_sparse_values = jnp.tile(sparse_values, 2)
    new_sparse_lengths = jnp.tile(sparse_lengths, 2)
    # dense_features.repeat(2, 1) tiles along dim 0
    new_dense_features = jnp.tile(dense_features, (2, 1))
    # labels.repeat(2)
    new_labels = jnp.tile(labels, 2)
    return (new_dense_features, new_sparse_values, new_sparse_lengths, new_labels)

if __name__ == "__main__":
    import jax
    _d = setup_inputs()
    print(jax.jit(kernel)(*tuple(_d.values())))

</pallas_src>

<mosaic_0001>
#map = affine_map<(d0, d1) -> (0)>
module attributes {stable_mosaic.version = 14 : i64} {
  func.func @_sc_tile2(%arg0: i32, %arg1: i32, %arg2: memref<425984xi32, #tpu.memory_space<hbm>>, %arg3: memref<425984xi32, #tpu.memory_space<hbm>>, %arg4: memref<851968xi32, #tpu.memory_space<hbm>>, %arg5: memref<851968xi32, #tpu.memory_space<hbm>>, %arg6: memref<13312xi32, #tpu.memory_space<vmem>>, %arg7: memref<13312xi32, #tpu.memory_space<vmem>>, %arg8: memref<!tpu.dma_semaphore, #tpu.memory_space<semaphore_mem>>, %arg9: memref<!tpu.dma_semaphore, #tpu.memory_space<semaphore_mem>>, %arg10: memref<!tpu.dma_semaphore, #tpu.memory_space<semaphore_mem>>, %arg11: memref<!tpu.dma_semaphore, #tpu.memory_space<semaphore_mem>>) attributes {dimension_semantics = [#tpu.dimension_semantics<core_parallel>, #tpu.dimension_semantics<subcore_parallel>], iteration_bounds = array<i64: 2, 16>, scalar_prefetch = 0 : i64, scratch_operands = 6 : i64, tpu.core_type = #tpu.core_type<sc_vector_subcore>, window_params = [{transform_indices = #map}, {transform_indices = #map}, {transform_indices = #map}, {transform_indices = #map}]} {
    %mul3A = arith.constant 2 : i32
    %mul3A_0 = arith.muli %arg1, %mul3A : i32
    %add3A = arith.addi %mul3A_0, %arg0 : i32
    %mul3A_1 = arith.constant 13312 : i32
    %mul3A_2 = arith.muli %add3A, %mul3A_1 : i32
    %dma_start3A = tpu.memref_slice %arg2[%mul3A_2] : memref<425984xi32, #tpu.memory_space<hbm>> -> memref<13312xi32, #tpu.memory_space<hbm>>
    %dma_start3A_3 = tpu.memref_slice %arg2[%mul3A_2] : memref<425984xi32, #tpu.memory_space<hbm>> -> memref<13312xi32, #tpu.memory_space<hbm>>
    tpu.enqueue_dma source(%dma_start3A_3 : memref<13312xi32, #tpu.memory_space<hbm>>) target(%arg6 : memref<13312xi32, #tpu.memory_space<vmem>>) target_semaphore(%arg8 : memref<!tpu.dma_semaphore, #tpu.memory_space<semaphore_mem>>)
    %dma_start3A_4 = tpu.memref_slice %arg3[%mul3A_2] : memref<425984xi32, #tpu.memory_space<hbm>> -> memref<13312xi32, #tpu.memory_space<hbm>>
    %dma_start3A_5 = tpu.memref_slice %arg3[%mul3A_2] : memref<425984xi32, #tpu.memory_space<hbm>> -> memref<13312xi32, #tpu.memory_space<hbm>>
    tpu.enqueue_dma source(%dma_start3A_5 : memref<13312xi32, #tpu.memory_space<hbm>>) target(%arg7 : memref<13312xi32, #tpu.memory_space<vmem>>) target_semaphore(%arg9 : memref<!tpu.dma_semaphore, #tpu.memory_space<semaphore_mem>>)
    %dma_wait3A = tpu.memref_slice %arg2[%mul3A_2] : memref<425984xi32, #tpu.memory_space<hbm>> -> memref<13312xi32, #tpu.memory_space<hbm>>
    %dma_wait3A_6 = tpu.memref_slice %arg2[%mul3A_2] : memref<425984xi32, #tpu.memory_space<hbm>> -> memref<13312xi32, #tpu.memory_space<hbm>>
    tpu.wait_dma2 semaphore(%arg8 : memref<!tpu.dma_semaphore, #tpu.memory_space<semaphore_mem>>) src(%dma_wait3A_6 : memref<13312xi32, #tpu.memory_space<hbm>>) dst(%arg6 : memref<13312xi32, #tpu.memory_space<vmem>>)
    %add3A_7 = arith.constant 425984 : i32
    %add3A_8 = arith.addi %add3A_7, %mul3A_2 : i32
    %dma_start3A_9 = tpu.memref_slice %arg4[%mul3A_2] : memref<851968xi32, #tpu.memory_space<hbm>> -> memref<13312xi32, #tpu.memory_space<hbm>>
    %dma_start3A_10 = tpu.memref_slice %arg4[%mul3A_2] : memref<851968xi32, #tpu.memory_space<hbm>> -> memref<13312xi32, #tpu.memory_space<hbm>>
    tpu.enqueue_dma source(%arg6 : memref<13312xi32, #tpu.memory_space<vmem>>) target(%dma_start3A_10 : memref<13312xi32, #tpu.memory_space<hbm>>) target_semaphore(%arg10 : memref<!tpu.dma_semaphore, #tpu.memory_space<semaphore_mem>>)
    %dma_start3A_11 = tpu.memref_slice %arg4[%add3A_8] : memref<851968xi32, #tpu.memory_space<hbm>> -> memref<13312xi32, #tpu.memory_space<hbm>>
    %dma_start3A_12 = tpu.memref_slice %arg4[%add3A_8] : memref<851968xi32, #tpu.memory_space<hbm>> -> memref<13312xi32, #tpu.memory_space<hbm>>
    tpu.enqueue_dma source(%arg6 : memref<13312xi32, #tpu.memory_space<vmem>>) target(%dma_start3A_12 : memref<13312xi32, #tpu.memory_space<hbm>>) target_semaphore(%arg10 : memref<!tpu.dma_semaphore, #tpu.memory_space<semaphore_mem>>)
    %dma_wait3A_13 = tpu.memref_slice %arg3[%mul3A_2] : memref<425984xi32, #tpu.memory_space<hbm>> -> memref<13312xi32, #tpu.memory_space<hbm>>
    %dma_wait3A_14 = tpu.memref_slice %arg3[%mul3A_2] : memref<425984xi32, #tpu.memory_space<hbm>> -> memref<13312xi32, #tpu.memory_space<hbm>>
    tpu.wait_dma2 semaphore(%arg9 : memref<!tpu.dma_semaphore, #tpu.memory_space<semaphore_mem>>) src(%dma_wait3A_14 : memref<13312xi32, #tpu.memory_space<hbm>>) dst(%arg7 : memref<13312xi32, #tpu.memory_space<vmem>>)
    %add3A_15 = arith.constant 425984 : i32
    %add3A_16 = arith.addi %add3A_15, %mul3A_2 : i32
    %dma_start3A_17 = tpu.memref_slice %arg5[%mul3A_2] : memref<851968xi32, #tpu.memory_space<hbm>> -> memref<13312xi32, #tpu.memory_space<hbm>>
    %dma_start3A_18 = tpu.memref_slice %arg5[%mul3A_2] : memref<851968xi32, #tpu.memory_space<hbm>> -> memref<13312xi32, #tpu.memory_space<hbm>>
    tpu.enqueue_dma source(%arg7 : memref<13312xi32, #tpu.memory_space<vmem>>) target(%dma_start3A_18 : memref<13312xi32, #tpu.memory_space<hbm>>) target_semaphore(%arg11 : memref<!tpu.dma_semaphore, #tpu.memory_space<semaphore_mem>>)
    %dma_start3A_19 = tpu.memref_slice %arg5[%add3A_16] : memref<851968xi32, #tpu.memory_space<hbm>> -> memref<13312xi32, #tpu.memory_space<hbm>>
    %dma_start3A_20 = tpu.memref_slice %arg5[%add3A_16] : memref<851968xi32, #tpu.memory_space<hbm>> -> memref<13312xi32, #tpu.memory_space<hbm>>
    tpu.enqueue_dma source(%arg7 : memref<13312xi32, #tpu.memory_space<vmem>>) target(%dma_start3A_20 : memref<13312xi32, #tpu.memory_space<hbm>>) target_semaphore(%arg11 : memref<!tpu.dma_semaphore, #tpu.memory_space<semaphore_mem>>)
    %dma_wait3A_21 = tpu.memref_slice %arg4[%mul3A_2] : memref<851968xi32, #tpu.memory_space<hbm>> -> memref<13312xi32, #tpu.memory_space<hbm>>
    %dma_wait3A_22 = tpu.memref_slice %arg4[%mul3A_2] : memref<851968xi32, #tpu.memory_space<hbm>> -> memref<13312xi32, #tpu.memory_space<hbm>>
    tpu.wait_dma2 semaphore(%arg10 : memref<!tpu.dma_semaphore, #tpu.memory_space<semaphore_mem>>) src(%arg6 : memref<13312xi32, #tpu.memory_space<vmem>>) dst(%dma_wait3A_22 : memref<13312xi32, #tpu.memory_space<hbm>>)
    %dma_wait3A_23 = tpu.memref_slice %arg4[%add3A_8] : memref<851968xi32, #tpu.memory_space<hbm>> -> memref<13312xi32, #tpu.memory_space<hbm>>
    %dma_wait3A_24 = tpu.memref_slice %arg4[%add3A_8] : memref<851968xi32, #tpu.memory_space<hbm>> -> memref<13312xi32, #tpu.memory_space<hbm>>
    tpu.wait_dma2 semaphore(%arg10 : memref<!tpu.dma_semaphore, #tpu.memory_space<semaphore_mem>>) src(%arg6 : memref<13312xi32, #tpu.memory_space<vmem>>) dst(%dma_wait3A_24 : memref<13312xi32, #tpu.memory_space<hbm>>)
    %dma_wait3A_25 = tpu.memref_slice %arg5[%mul3A_2] : memref<851968xi32, #tpu.memory_space<hbm>> -> memref<13312xi32, #tpu.memory_space<hbm>>
    %dma_wait3A_26 = tpu.memref_slice %arg5[%mul3A_2] : memref<851968xi32, #tpu.memory_space<hbm>> -> memref<13312xi32, #tpu.memory_space<hbm>>
    tpu.wait_dma2 semaphore(%arg11 : memref<!tpu.dma_semaphore, #tpu.memory_space<semaphore_mem>>) src(%arg7 : memref<13312xi32, #tpu.memory_space<vmem>>) dst(%dma_wait3A_26 : memref<13312xi32, #tpu.memory_space<hbm>>)
    %dma_wait3A_27 = tpu.memref_slice %arg5[%add3A_16] : memref<851968xi32, #tpu.memory_space<hbm>> -> memref<13312xi32, #tpu.memory_space<hbm>>
    %dma_wait3A_28 = tpu.memref_slice %arg5[%add3A_16] : memref<851968xi32, #tpu.memory_space<hbm>> -> memref<13312xi32, #tpu.memory_space<hbm>>
    tpu.wait_dma2 semaphore(%arg11 : memref<!tpu.dma_semaphore, #tpu.memory_space<semaphore_mem>>) src(%arg7 : memref<13312xi32, #tpu.memory_space<vmem>>) dst(%dma_wait3A_28 : memref<13312xi32, #tpu.memory_space<hbm>>)
    return
  }
}

module attributes {stable_mosaic.version = 14 : i64} {
  func.func @_tc_tile2(%arg0: memref<13x16384xf32, #tpu.memory_space<any>>, %arg1: memref<128x128xf32, #tpu.memory_space<any>>, %arg2: memref<13x32768xf32, #tpu.memory_space<any>>, %arg3: memref<256x128xf32, #tpu.memory_space<any>>, %arg4: memref<13x16384xf32, #tpu.memory_space<vmem>>, %arg5: memref<128x128xf32, #tpu.memory_space<vmem>>, %arg6: memref<2x!tpu.dma_semaphore, #tpu.memory_space<semaphore_mem>>, %arg7: memref<4x!tpu.dma_semaphore, #tpu.memory_space<semaphore_mem>>) attributes {dimension_semantics = [], scalar_prefetch = 0 : i64, scratch_operands = 4 : i64, tpu.core_type = #tpu.core_type<tc>} {
    %dma_start3A = arith.constant 0 : i32
    %dma_start3A_0 = tpu.memref_slice %arg6[%dma_start3A] : memref<2x!tpu.dma_semaphore, #tpu.memory_space<semaphore_mem>> -> memref<1x!tpu.dma_semaphore, #tpu.memory_space<semaphore_mem>>
    %dma_start3A_1 = tpu.memref_squeeze %dma_start3A_0 : memref<1x!tpu.dma_semaphore, #tpu.memory_space<semaphore_mem>> -> memref<!tpu.dma_semaphore, #tpu.memory_space<semaphore_mem>>
    tpu.enqueue_dma source(%arg0 : memref<13x16384xf32, #tpu.memory_space<any>>) target(%arg4 : memref<13x16384xf32, #tpu.memory_space<vmem>>) target_semaphore(%dma_start3A_1 : memref<!tpu.dma_semaphore, #tpu.memory_space<semaphore_mem>>)
    %dma_start3A_2 = arith.constant 1 : i32
    %dma_start3A_3 = tpu.memref_slice %arg6[%dma_start3A_2] : memref<2x!tpu.dma_semaphore, #tpu.memory_space<semaphore_mem>> -> memref<1x!tpu.dma_semaphore, #tpu.memory_space<semaphore_mem>>
    %dma_start3A_4 = tpu.memref_squeeze %dma_start3A_3 : memref<1x!tpu.dma_semaphore, #tpu.memory_space<semaphore_mem>> -> memref<!tpu.dma_semaphore, #tpu.memory_space<semaphore_mem>>
    tpu.enqueue_dma source(%arg1 : memref<128x128xf32, #tpu.memory_space<any>>) target(%arg5 : memref<128x128xf32, #tpu.memory_space<vmem>>) target_semaphore(%dma_start3A_4 : memref<!tpu.dma_semaphore, #tpu.memory_space<semaphore_mem>>)
    %dma_wait3A = arith.constant 0 : i32
    %dma_wait3A_5 = tpu.memref_slice %arg6[%dma_wait3A] : memref<2x!tpu.dma_semaphore, #tpu.memory_space<semaphore_mem>> -> memref<1x!tpu.dma_semaphore, #tpu.memory_space<semaphore_mem>>
    %dma_wait3A_6 = tpu.memref_squeeze %dma_wait3A_5 : memref<1x!tpu.dma_semaphore, #tpu.memory_space<semaphore_mem>> -> memref<!tpu.dma_semaphore, #tpu.memory_space<semaphore_mem>>
    tpu.wait_dma2 semaphore(%dma_wait3A_6 : memref<!tpu.dma_semaphore, #tpu.memory_space<semaphore_mem>>) src(%arg0 : memref<13x16384xf32, #tpu.memory_space<any>>) dst(%arg4 : memref<13x16384xf32, #tpu.memory_space<vmem>>)
    %dma_start3A_7 = arith.constant 0 : i32
    %dma_start3A_8 = tpu.memref_slice %arg7[%dma_start3A_7] : memref<4x!tpu.dma_semaphore, #tpu.memory_space<semaphore_mem>> -> memref<1x!tpu.dma_semaphore, #tpu.memory_space<semaphore_mem>>
    %dma_start3A_9 = tpu.memref_squeeze %dma_start3A_8 : memref<1x!tpu.dma_semaphore, #tpu.memory_space<semaphore_mem>> -> memref<!tpu.dma_semaphore, #tpu.memory_space<semaphore_mem>>
    %dma_start3A_10 = arith.constant 0 : i32
    %dma_start3A_11 = arith.constant 0 : i32
    %dma_start3A_12 = tpu.memref_slice %arg2[%dma_start3A_10, %dma_start3A_11] : memref<13x32768xf32, #tpu.memory_space<any>> -> memref<13x16384xf32, #tpu.memory_space<any>>
    tpu.enqueue_dma source(%arg4 : memref<13x16384xf32, #tpu.memory_space<vmem>>) target(%dma_start3A_12 : memref<13x16384xf32, #tpu.memory_space<any>>) target_semaphore(%dma_start3A_9 : memref<!tpu.dma_semaphore, #tpu.memory_space<semaphore_mem>>)
    %dma_start3A_13 = arith.constant 1 : i32
    %dma_start3A_14 = tpu.memref_slice %arg7[%dma_start3A_13] : memref<4x!tpu.dma_semaphore, #tpu.memory_space<semaphore_mem>> -> memref<1x!tpu.dma_semaphore, #tpu.memory_space<semaphore_mem>>
    %dma_start3A_15 = tpu.memref_squeeze %dma_start3A_14 : memref<1x!tpu.dma_semaphore, #tpu.memory_space<semaphore_mem>> -> memref<!tpu.dma_semaphore, #tpu.memory_space<semaphore_mem>>
    %dma_start3A_16 = arith.constant 0 : i32
    %dma_start3A_17 = arith.constant 16384 : i32
    %dma_start3A_18 = tpu.memref_slice %arg2[%dma_start3A_16, %dma_start3A_17] : memref<13x32768xf32, #tpu.memory_space<any>> -> memref<13x16384xf32, #tpu.memory_space<any>>
    tpu.enqueue_dma source(%arg4 : memref<13x16384xf32, #tpu.memory_space<vmem>>) target(%dma_start3A_18 : memref<13x16384xf32, #tpu.memory_space<any>>) target_semaphore(%dma_start3A_15 : memref<!tpu.dma_semaphore, #tpu.memory_space<semaphore_mem>>)
    %dma_wait3A_19 = arith.constant 1 : i32
    %dma_wait3A_20 = tpu.memref_slice %arg6[%dma_wait3A_19] : memref<2x!tpu.dma_semaphore, #tpu.memory_space<semaphore_mem>> -> memref<1x!tpu.dma_semaphore, #tpu.memory_space<semaphore_mem>>
    %dma_wait3A_21 = tpu.memref_squeeze %dma_wait3A_20 : memref<1x!tpu.dma_semaphore, #tpu.memory_space<semaphore_mem>> -> memref<!tpu.dma_semaphore, #tpu.memory_space<semaphore_mem>>
    tpu.wait_dma2 semaphore(%dma_wait3A_21 : memref<!tpu.dma_semaphore, #tpu.memory_space<semaphore_mem>>) src(%arg1 : memref<128x128xf32, #tpu.memory_space<any>>) dst(%arg5 : memref<128x128xf32, #tpu.memory_space<vmem>>)
    %dma_start3A_22 = arith.constant 2 : i32
    %dma_start3A_23 = tpu.memref_slice %arg7[%dma_start3A_22] : memref<4x!tpu.dma_semaphore, #tpu.memory_space<semaphore_mem>> -> memref<1x!tpu.dma_semaphore, #tpu.memory_space<semaphore_mem>>
    %dma_start3A_24 = tpu.memref_squeeze %dma_start3A_23 : memref<1x!tpu.dma_semaphore, #tpu.memory_space<semaphore_mem>> -> memref<!tpu.dma_semaphore, #tpu.memory_space<semaphore_mem>>
    %dma_start3A_25 = arith.constant 0 : i32
    %dma_start3A_26 = arith.constant 0 : i32
    %dma_start3A_27 = tpu.memref_slice %arg3[%dma_start3A_25, %dma_start3A_26] : memref<256x128xf32, #tpu.memory_space<any>> -> memref<128x128xf32, #tpu.memory_space<any>>
    tpu.enqueue_dma source(%arg5 : memref<128x128xf32, #tpu.memory_space<vmem>>) target(%dma_start3A_27 : memref<128x128xf32, #tpu.memory_space<any>>) target_semaphore(%dma_start3A_24 : memref<!tpu.dma_semaphore, #tpu.memory_space<semaphore_mem>>)
    %dma_start3A_28 = arith.constant 3 : i32
    %dma_start3A_29 = tpu.memref_slice %arg7[%dma_start3A_28] : memref<4x!tpu.dma_semaphore, #tpu.memory_space<semaphore_mem>> -> memref<1x!tpu.dma_semaphore, #tpu.memory_space<semaphore_mem>>
    %dma_start3A_30 = tpu.memref_squeeze %dma_start3A_29 : memref<1x!tpu.dma_semaphore, #tpu.memory_space<semaphore_mem>> -> memref<!tpu.dma_semaphore, #tpu.memory_space<semaphore_mem>>
    %dma_start3A_31 = arith.constant 128 : i32
    %dma_start3A_32 = arith.constant 0 : i32
    %dma_start3A_33 = tpu.memref_slice %arg3[%dma_start3A_31, %dma_start3A_32] : memref<256x128xf32, #tpu.memory_space<any>> -> memref<128x128xf32, #tpu.memory_space<any>>
    tpu.enqueue_dma source(%arg5 : memref<128x128xf32, #tpu.memory_space<vmem>>) target(%dma_start3A_33 : memref<128x128xf32, #tpu.memory_space<any>>) target_semaphore(%dma_start3A_30 : memref<!tpu.dma_semaphore, #tpu.memory_space<semaphore_mem>>)
    %dma_wait3A_34 = arith.constant 0 : i32
    %dma_wait3A_35 = tpu.memref_slice %arg7[%dma_wait3A_34] : memref<4x!tpu.dma_semaphore, #tpu.memory_space<semaphore_mem>> -> memref<1x!tpu.dma_semaphore, #tpu.memory_space<semaphore_mem>>
    %dma_wait3A_36 = tpu.memref_squeeze %dma_wait3A_35 : memref<1x!tpu.dma_semaphore, #tpu.memory_space<semaphore_mem>> -> memref<!tpu.dma_semaphore, #tpu.memory_space<semaphore_mem>>
    %dma_wait3A_37 = arith.constant 0 : i32
    %dma_wait3A_38 = arith.constant 0 : i32
    %dma_wait3A_39 = tpu.memref_slice %arg2[%dma_wait3A_37, %dma_wait3A_38] : memref<13x32768xf32, #tpu.memory_space<any>> -> memref<13x16384xf32, #tpu.memory_space<any>>
    tpu.wait_dma2 semaphore(%dma_wait3A_36 : memref<!tpu.dma_semaphore, #tpu.memory_space<semaphore_mem>>) src(%arg4 : memref<13x16384xf32, #tpu.memory_space<vmem>>) dst(%dma_wait3A_39 : memref<13x16384xf32, #tpu.memory_space<any>>)
    %dma_wait3A_40 = arith.constant 1 : i32
    %dma_wait3A_41 = tpu.memref_slice %arg7[%dma_wait3A_40] : memref<4x!tpu.dma_semaphore, #tpu.memory_space<semaphore_mem>> -> memref<1x!tpu.dma_semaphore, #tpu.memory_space<semaphore_mem>>
    %dma_wait3A_42 = tpu.memref_squeeze %dma_wait3A_41 : memref<1x!tpu.dma_semaphore, #tpu.memory_space<semaphore_mem>> -> memref<!tpu.dma_semaphore, #tpu.memory_space<semaphore_mem>>
    %dma_wait3A_43 = arith.constant 0 : i32
    %dma_wait3A_44 = arith.constant 16384 : i32
    %dma_wait3A_45 = tpu.memref_slice %arg2[%dma_wait3A_43, %dma_wait3A_44] : memref<13x32768xf32, #tpu.memory_space<any>> -> memref<13x16384xf32, #tpu.memory_space<any>>
    tpu.wait_dma2 semaphore(%dma_wait3A_42 : memref<!tpu.dma_semaphore, #tpu.memory_space<semaphore_mem>>) src(%arg4 : memref<13x16384xf32, #tpu.memory_space<vmem>>) dst(%dma_wait3A_45 : memref<13x16384xf32, #tpu.memory_space<any>>)
    %dma_wait3A_46 = arith.constant 2 : i32
    %dma_wait3A_47 = tpu.memref_slice %arg7[%dma_wait3A_46] : memref<4x!tpu.dma_semaphore, #tpu.memory_space<semaphore_mem>> -> memref<1x!tpu.dma_semaphore, #tpu.memory_space<semaphore_mem>>
    %dma_wait3A_48 = tpu.memref_squeeze %dma_wait3A_47 : memref<1x!tpu.dma_semaphore, #tpu.memory_space<semaphore_mem>> -> memref<!tpu.dma_semaphore, #tpu.memory_space<semaphore_mem>>
    %dma_wait3A_49 = arith.constant 0 : i32
    %dma_wait3A_50 = arith.constant 0 : i32
    %dma_wait3A_51 = tpu.memref_slice %arg3[%dma_wait3A_49, %dma_wait3A_50] : memref<256x128xf32, #tpu.memory_space<any>> -> memref<128x128xf32, #tpu.memory_space<any>>
    tpu.wait_dma2 semaphore(%dma_wait3A_48 : memref<!tpu.dma_semaphore, #tpu.memory_space<semaphore_mem>>) src(%arg5 : memref<128x128xf32, #tpu.memory_space<vmem>>) dst(%dma_wait3A_51 : memref<128x128xf32, #tpu.memory_space<any>>)
    %dma_wait3A_52 = arith.constant 3 : i32
    %dma_wait3A_53 = tpu.memref_slice %arg7[%dma_wait3A_52] : memref<4x!tpu.dma_semaphore, #tpu.memory_space<semaphore_mem>> -> memref<1x!tpu.dma_semaphore, #tpu.memory_space<semaphore_mem>>
    %dma_wait3A_54 = tpu.memref_squeeze %dma_wait3A_53 : memref<1x!tpu.dma_semaphore, #tpu.memory_space<semaphore_mem>> -> memref<!tpu.dma_semaphore, #tpu.memory_space<semaphore_mem>>
    %dma_wait3A_55 = arith.constant 128 : i32
    %dma_wait3A_56 = arith.constant 0 : i32
    %dma_wait3A_57 = tpu.memref_slice %arg3[%dma_wait3A_55, %dma_wait3A_56] : memref<256x128xf32, #tpu.memory_space<any>> -> memref<128x128xf32, #tpu.memory_space<any>>
    tpu.wait_dma2 semaphore(%dma_wait3A_54 : memref<!tpu.dma_semaphore, #tpu.memory_space<semaphore_mem>>) src(%arg5 : memref<128x128xf32, #tpu.memory_space<vmem>>) dst(%dma_wait3A_57 : memref<128x128xf32, #tpu.memory_space<any>>)
    return
  }
}

</mosaic_0001>

<sc_bundles>
// kernel: kernel.4.cloned.1.call-start
scs
__scs_entry_jumppad:
0x0: {  	(pc) =	sbr.rel $0x88, $3  }
0x1: {  	(tag) =	ssettag $0x0;
	lr =	simm.s32 $0x1  }
0x2: {  	[smem:$0x3F9D] =	sst lr;
	_ =	strace $0xD0000000  }
0x3: {  	_ = 	snop  }
0x4: {  	_ = 	snop  }
0x5: {  	_ = 	snop  }
0x6: {  	_ = 	snop  }
0x7: {  	_ = 	snop  }
__scs_overlays_trampoline_lowered:
0x8: {  	[smem:$0x3FAC] =	sst s0  }
0x9: {  	[smem:$0x3FAD] =	sst s1  }
0xa: {  	[smem:$0x3FAE] =	sst s2  }
0xb: {  	[smem:$0x3FAF] =	sst s3  }
0xc: {  	[smem:$0x3FB0] =	sst s4  }
0xd: {  	[smem:$0x3FB1] =	sst s5  }
0xe: {  	[smem:$0x3FB2] =	sst s6  }
0xf: {  	[smem:$0x3FB3] =	sst s7  }
0x10: {  	[smem:$0x3FB4] =	sst s8  }
0x11: {  	[smem:$0x3FB5] =	sst s9;
	s0 =	simm.s32 @!p0 $0x0  }
0x12: {  	s1 =	sld [smem:$0x3F9B];
	s0 =	simm.s32 @p0 $0x1  }
0x13: {  	[smem:$0x3FB6] =	sst s0;
	s0 =	simm.s32 @!p1 $0x0  }
0x14: {  	s2 =	sld [smem:$0x3F9A];
	s0 =	simm.s32 @p1 $0x1  }
0x15: {  	[smem:$0x3FB7] =	sst s0;
	s0 =	simm.s32 @!p2 $0x0  }
0x16: {  	s3 =	sld [smem:$0x3FDB];
	s0 =	simm.s32 @p2 $0x1  }
0x17: {  	s4 =	simm.s32 $0x1BF5;
	[smem:$0x3FB9] =	sst s0  }
0x18: {  	s0 =	sld [smem:$0x3F9C];
	_ =	swait.ge [sflag:s4], $0x0  }
0x19: {  	s7 =	sld [smem:$0x3F9D]  }
0x1a: {  	s8 =	sadd.s32 $0xFFFFE003, lr  }
0x1b: {  	s9 =	sadd.s32 $0xFFFFFEF7, lr;
	s5 =	simm.s32 $0xFFFFFFFF;
	p2 =	slt.u32 s8, $0xFFFFF086  }
0x1c: {  	p1 =	slt.u32 s9, $0xF7A;
	s5 =	simm.s32 @!p2 $0x0  }
0x1d: {  	s5 =	simm.s32 @p1 $0x1;
	p0 =	seq.s32 s7, s2  }
0x1e: {  	s7 =	smul.u32 @!p0 $0xF7A, s2;
	p2 =	seq.s32 @!p0 s5, $0x0  }
0x1f: {  	s9 =	smul.u32 $0xF7A, s1;
	s8 =	simm.s32 @!p0 $0x1BF5;
	p2 =	por !p2, p0  }
0x20: {  	[sflag:s8] =	ssyncset.s32 @!p0 $0xFFFFF086;
	s6 =	sadd.s32 @!p0 s3, s7;
	s7 =	simm.s32 @!p0 $0x108  }
0x21: {  	s3 =	sadd.s32 s3, s9;
	s6 =	sadd.s32 @!p0 $0x88, s6;
	s7 =	simm.s32 @p2 $0x1082  }
0x22: {  	[simem:s7], [sflag:s8] =	dma.local @!p0 [hbm:s6], $0xF7A  }
0x23: {  	s9 =	sor.u32 $0xD0000000, s2;
	s6 =	simm.s32 $0x108;
	_ =	swait.ge @!p0 [sflag:s8], $0x0  }
0x24: {  	s3 =	sadd.s32 $0x88, s3;
	s6 =	simm.s32 @!p1 $0x1082;
	[sflag:s4] =	ssyncset.s32 $0xFFFFF086  }
0x25: {  	[simem:s6], [sflag:s4] =	dma.local [hbm:s3], $0xF7A  }
0x26: {  	[smem:$0x3F9D] =	sst s1;
	(tag) =	ssettag s2;
	_ =	strace s9  }
0x27: {  	s1 =	sld [smem:$0x3FAD]  }
0x28: {  	s2 =	sld [smem:$0x3FAE]  }
0x29: {  	s4 =	sld [smem:$0x3FB0]  }
0x2a: {  	p0 =	seq.s32 s5, $0x0;
	s5 =	sld [smem:$0x3FB1]  }
0x2b: {  	s6 =	sld [smem:$0x3FB2]  }
0x2c: {  	s7 =	sld [smem:$0x3FB3]  }
0x2d: {  	s3 =	simm.s32 $0x108;
	s8 =	sld [smem:$0x3FB4]  }
0x2e: {  	s3 =	simm.s32 @!p0 $0x1082;
	s9 =	sld [smem:$0x3FB5]  }
0x2f: {  	lr =	sadd.s32 s0, s3;
	s0 =	sld [smem:$0x3FAC]  }
0x30: {  	s3 =	sld [smem:$0x3FAF]  }
0x31: {  	[smem:$0x3FB8] =	sst s10  }
0x32: {  	s10 =	sld [smem:$0x3FB6];
	_ =	sdelay $0x3  }
0x33: {  	p0 =	seq.s32 s10, $0x1;
	s10 =	sld [smem:$0x3FB8];
	_ =	sdelay $0x3  }
0x34: {  	[smem:$0x3FB8] =	sst s10  }
0x35: {  	s10 =	sld [smem:$0x3FB7];
	_ =	sdelay $0x3  }
0x36: {  	p1 =	seq.s32 s10, $0x1;
	s10 =	sld [smem:$0x3FB8];
	_ =	sdelay $0x3  }
0x37: {  	[smem:$0x3FB8] =	sst s10  }
0x38: {  	s10 =	sld [smem:$0x3FB9]  }
0x39: {  	_ = 	snop;
	(pc) =	sbr.ind lr, $3  }
0x3a: {  	_ = 	snop  }
0x3b: {  	_ = 	snop  }
0x3c: {  	p2 =	seq.s32 s10, $0x1;
	s10 =	sld [smem:$0x3FB8]  }
0x3d: {  	_ =	shalt  }
0x3e: {  	_ =	shalt  }
0x3f: {  	_ =	shalt  }
0x40: {  	_ =	shalt  }
0x41: {  	_ =	shalt  }
0x42: {  	_ =	shalt  }
0x43: {  	_ =	shalt  }
0x44: {  	_ =	shalt  }
0x45: {  	_ =	shalt  }
0x46: {  	_ =	shalt  }
0x47: {  	_ =	shalt  }
0x48: {  	_ =	shalt  }
0x49: {  	_ =	shalt  }
0x4a: {  	_ =	shalt  }
0x4b: {  	_ =	shalt  }
0x4c: {  	_ =	shalt  }
0x4d: {  	_ =	shalt  }
0x4e: {  	_ =	shalt  }
0x4f: {  	_ =	shalt  }
0x50: {  	_ =	shalt  }
0x51: {  	_ =	shalt  }
0x52: {  	_ =	shalt  }
0x53: {  	_ =	shalt  }
0x54: {  	_ =	shalt  }
0x55: {  	_ =	shalt  }
0x56: {  	_ =	shalt  }
0x57: {  	_ =	shalt  }
0x58: {  	_ =	shalt  }
0x59: {  	_ =	shalt  }
0x5a: {  	_ =	shalt  }
0x5b: {  	_ =	shalt  }
0x5c: {  	_ =	shalt  }
0x5d: {  	_ =	shalt  }
0x5e: {  	_ =	shalt  }
0x5f: {  	_ =	shalt  }
0x60: {  	_ =	shalt  }
0x61: {  	_ =	shalt  }
0x62: {  	_ =	shalt  }
0x63: {  	_ =	shalt  }
0x64: {  	_ =	shalt  }
0x65: {  	_ =	shalt  }
0x66: {  	_ =	shalt  }
0x67: {  	_ =	shalt  }
0x68: {  	_ =	shalt  }
0x69: {  	_ =	shalt  }
0x6a: {  	_ =	shalt  }
0x6b: {  	_ =	shalt  }
0x6c: {  	_ =	shalt  }
0x6d: {  	_ =	shalt  }
0x6e: {  	_ =	shalt  }
0x6f: {  	_ =	shalt  }
0x70: {  	_ =	shalt  }
0x71: {  	_ =	shalt  }
0x72: {  	_ =	shalt  }
0x73: {  	_ =	shalt  }
0x74: {  	_ =	shalt  }
0x75: {  	_ =	shalt  }
0x76: {  	_ =	shalt  }
0x77: {  	_ =	shalt  }
0x78: {  	_ =	shalt  }
0x79: {  	_ =	shalt  }
0x7a: {  	_ =	shalt  }
0x7b: {  	_ =	shalt  }
0x7c: {  	_ =	shalt  }
0x7d: {  	_ =	shalt  }
0x7e: {  	_ =	shalt  }
0x7f: {  	_ =	shalt  }
0x80: {  	_ =	shalt  }
0x81: {  	_ =	shalt  }
0x82: {  	_ =	shalt  }
0x83: {  	_ =	shalt  }
0x84: {  	_ =	shalt  }
0x85: {  	_ =	shalt  }
0x86: {  	_ =	shalt  }
0x87: {  	_ =	shalt  }
.Lfunc_end0:
.L_simem_size_0:
called_computation_lowered:
.L_overlay_start_0:
0x88: {  	s2 =	sld [smem:$0x3FD9]  }
0x89: {  	s3 =	sld [smem:$0x3FFE];
	_ =	sdelay $0x1  }
0x8a: {  	s1 =	srdreg.scid  }
0x8b: {  	s0 =	sand.u32 $0x1, s1  }
0x8c: {  	s15 =	sshll.u32 s0, $0xA;
	s2 =	sadd.s32 s3, s2  }
0x8d: {  	s2 =	sadd.s32 s2, s15  }
0x8e: {  	[smem:$0x3FC4] =	sst s2  }
0x8f: {  	_ = 	snop  }
0x90: {  	s2 =	sld [smem:$0x3FD0];
	_ =	sdelay $0x1  }
0x91: {  	s16 =	sld [smem:$0x3FC9]  }
0x92: {  	s5 =	simm.s32 $0xA;
	s6 =	simm.s32 $0x10;
	s4 =	sld [smem:$0x3FC8]  }
0x93: {  	[smem:s6], [sflag:s5] =	dma.local [hbm:s2], $0x1  }
0x94: {  	_ =	swait.eq [sflag:s5], $0x1  }
0x95: {  	[sflag:s5] =	ssyncset.done $0x0  }
0x96: {  	s17 =	sld [smem:$0x11];
	[sflag:s5] =	ssyncadd.s32 $0xFFFFFFFF  }
0x97: {  	s18 =	sld [smem:$0x12];
	(tm) =	ssettm $0x1  }
0x98: {  	s19 =	sld [smem:$0x3FFB];
	_ =	sdelay $0x3  }
0x99: {  	_ =	strace s19  }
0x9a: {  	s6 =	sld [smem:$0x3FFC];
	_ =	sdelay $0x3  }
0x9b: {  	_ =	strace s6  }
0x9c: {  	s6 =	sld [smem:$0x3FFD];
	_ =	sdelay $0x3  }
0x9d: {  	_ =	strace s6  }
0x9e: {  	_ =	strace $0x8FFFFFFF  }
0x9f: {  	s20 =	sld [smem:$0x3FDB];
	_ =	sdelay $0x1  }
0xa0: {  	s7 =	simm.s32 $_scs_section_size  }
0xa1: {  	s8 =	simm.s32 $_size__tile_overlayer_lowered;
	s9 =	simm.s32 $_tile_overlayer_lowered  }
0xa2: {  	s23 =	simm.s32 $0x1BFF;
	s22 =	sshll.u32 s9, $0x1;
	s6 =	sadd.s32 s7, s20  }
0xa3: {  	s10 =	simm.s32 $0x0;
	s21 =	sshll.u32 s8, $0x1;
	s8 =	sadd.s32 s22, s6  }
0xa4: {  	[timem:s10], [sflag:s23] =	dma.local [hbm:s8], s21  }
0xa5: {  	_ =	swait.ge [sflag:s23], s21  }
0xa6: {  	s7 =	ssub.s32 $0x0, s21;
	[sflag:s23] =	ssyncset.done $0x0  }
0xa7: {  	[sflag:s23] =	ssyncadd.s32 s7;
	_ =	sdelay $0x1  }
0xa8: {  	s24 =	simm.s32 $0x1B8B  }
0xa9: {  	_ =	swait.ge [sflag:s24], $0x1  }
0xaa: {  	[sflag:s24] =	ssyncset.done $0x0  }
0xab: {  	s25 =	simm.s32 $0x1B8E;
	[sflag:s24] =	ssyncadd.s32 $0xFFFFFFFF  }
0xac: {  	s26 =	simm.s32 $execute0_lowered;
	[smem:$0x3FD2] =	sst s25  }
0xad: {  	s7 =	sshll.u32 s26, $0x1;
	_ =	strace $0x80000046;
	[dreg:$0x1] =	wrdreg $0xFFFFFFFF  }
0xae: {  	s28 =	simm.s32 $_size_execute0_lowered;
	s6 =	sadd.s32 s6, s7;
	[dreg:$0x0] =	wrdreg $0x0  }
0xaf: {  	s7 =	sshll.u32 s28, $0x1;
	[dreg:$0x2] =	wrdreg s6  }
0xb0: {  	[dreg:$0x3] =	wrdreg s7  }
0xb1: {  	[dreg:$0x4] =	wrdreg $0xC0  }
0xb2: {  	_ =	task [dreg:s10], $0x5FFFF  }
0xb3: {  	[dreg:$0x1] =	wrdreg $0xFFFFFFFF  }
0xb4: {  	[dreg:$0x0] =	wrdreg $0x60  }
0xb5: {  	[dreg:$0x2] =	wrdreg s16  }
0xb6: {  	[dreg:$0x3] =	wrdreg s4  }
0xb7: {  	[dreg:$0x4] =	wrdreg s17  }
0xb8: {  	[dreg:$0x5] =	wrdreg s18  }
0xb9: {  	[dreg:$0x6] =	wrdreg $0x9  }
0xba: {  	_ =	task.clear_ibuf [dreg:s10], $0x7FFFF;
	_ =	strace $0x90000046  }
0xbb: {  	s29 =	simm.s32 $0x9;
	_ =	strace $0x80000048  }
0xbc: {  	_ =	swait.ge [sflag:s29], $0x1  }
0xbd: {  	[sflag:s29] =	ssyncadd.s32 $0xFFFFFFFF  }
0xbe: {  	_ =	strace $0x90000048  }
0xbf: {  	_ =	sfence  }
0xc0: {  	s30 =	sld [smem:$0x0];
	_ =	sdelay $0x2  }
0xc1: {  	s31 =	sshll.u32 s1, $0xD;
	s1 =	sshrl.u32 s1, $0x2  }
0xc2: {  	s3 =	sand.u32 $0x4000, s31;
	s1 =	sadd.s32 s1, s30  }
0xc3: {  	s0 =	sor.u32 s3, s0;
	s1 =	sshll.u32 s1, $0x11  }
0xc4: {  	s0 =	sor.u32 s1, s0  }
0xc5: {  	s0 =	sadd.s32 $0x8F2B, s0  }
0xc6: {  	[sflag:s0] =	ssyncadd.remote.s32 $0x1  }
0xc7: {  	_ =	sfence.sel $0xFFFF  }
0xc8: {  	[dreg:$0x0] =	wrdreg $0xFFFFFFFF;
	(pc) =	sbr.abs _section_cstart, $3  }
0xc9: {  	[dreg:$0x1] =	wrdreg $0xFFFFFFFF  }
0xca: {  	_ =	task.clear_ibuf [dreg:s10], $0x2FFFF;
	_ =	strace $0x9FFFFFFF  }
0xcb: {  	(tm) =	ssettm $0x7FFFFFFF  }
tec
execute0_lowered:
.L_overlay_start_1:
0x0: {  	(tag) =	ssettag $0x1  }
0x1: {  	s1 =	srdreg.scid;
	s0 =	stileid.u32  }
0x2: {  	s3 =	rddreg [dreg:$0x0];
	s13 =	sand.u32 $0x1, s1;
	s31 =	sshll.u32 s0, $0x1  }
0x3: {  	s4 =	rddreg [dreg:$0x1];
	s1 =	sor.u32 s13, s31  }
0x4: {  	s8 =	rddreg [dreg:$0x2];
	s5 =	smul.u32 $0x3400, s1  }
0x5: {  	s11 =	rddreg [dreg:$0x3];
	s2 =	simm.s32 $0x0  }
0x6: {  	[smem:$0x7FF] =	sst s2;
	s10 =	sshrl.u32 s5, $0x3  }
0x7: {  	s1 =	rddreg [dreg:$0x4];
	_ =	strace $0x80000047;
	s3 =	sadd.s32 s3, s10  }
0x8: {  	[tilespmem:s2], [sflag:$0x1] =	stream.linear.gather [hbm4b:s3+s2], $0x3400, $0x38;
	[tilespmem:$0x6800] =	vst v63  }
0x9: {  	s6 =	simm.s32 $0x1;
	s5 =	simm.s32 $0x3400;
	s4 =	sadd.s32 s4, s10  }
0xa: {  	[tilespmem:s5], [sflag:$0x2] =	stream.linear.gather [hbm4b:s4+s2], $0x3400, $0x38;
	[tilespmem:$0x6800] =	vst v63  }
0xb: {  	_ =	swait.ge [sflag:s6], $0x3400  }
0xc: {  	[sflag:s6] =	ssyncset.done $0x0  }
0xd: {  	s7 =	sadd.s32 s8, s10;
	s12 =	sadd.s32 $0xD000, s10;
	[sflag:s6] =	ssyncadd.s32 $0xFFFFCC00  }
0xe: {  	[hbm4b:s7+s2] =	stream.linear.scatter [tilespmem:s2], [sflag:$0x3], $0x3400, $0x38;
	[tilespmem:$0x6800] =	vst v63  }
0xf: {  	s9 =	simm.s32 $0x2;
	s8 =	sadd.s32 s8, s12  }
0x10: {  	[hbm4b:s8+s2] =	stream.linear.scatter [tilespmem:s2], [sflag:$0x3], $0x3400, $0x38;
	[tilespmem:$0x6800] =	vst v63  }
0x11: {  	_ =	swait.ge [sflag:s9], $0x3400  }
0x12: {  	[sflag:s9] =	ssyncset.done $0x0  }
0x13: {  	s10 =	sadd.s32 s11, s10;
	[sflag:s9] =	ssyncadd.s32 $0xFFFFCC00  }
0x14: {  	[hbm4b:s10+s2] =	stream.linear.scatter [tilespmem:s5], [sflag:$0x4], $0x3400, $0x38;
	[tilespmem:$0x6800] =	vst v63  }
0x15: {  	s11 =	sadd.s32 s11, s12;
	s12 =	simm.s32 $0x3  }
0x16: {  	[hbm4b:s11+s2] =	stream.linear.scatter [tilespmem:s5], [sflag:$0x4], $0x3400, $0x38;
	[tilespmem:$0x6800] =	vst v63  }
0x17: {  	_ =	swait.ge [sflag:s12], $0x3400  }
0x18: {  	s14 =	ssub.s32 $0x2, s13;
	[sflag:s12] =	ssyncset.done $0x0  }
0x19: {  	s15 =	sshrl.u32 s14, $0x1;
	[sflag:s12] =	ssyncadd.s32 $0xFFFFCC00  }
0x1a: {  	s14 =	ssub.s32 s14, s15;
	_ =	swait.ge [sflag:s12], $0x3400  }
0x1b: {  	s14 =	smax.u32 s14, $0x1;
	[sflag:s12] =	ssyncset.done $0x0  }
0x1c: {  	s13 =	simm.s32 $0x4;
	p0 =	sne.s32 s14, $0x1;
	[sflag:s12] =	ssyncadd.s32 $0xFFFFCC00  }
.Ltmp0:
0x1d: {  	_ =	swait.ge [sflag:s13], $0x3400;
	(pc) =	sbr.rel @!p0 .LBB2_2-.Ltmp0, $4  }
0x1e: {  	[sflag:s13] =	ssyncset.done $0x0  }
0x1f: {  	[sflag:s13] =	ssyncadd.s32 $0xFFFFCC00  }
0x20: {  	_ =	swait.ge [sflag:s13], $0x3400  }
0x21: {  	s14 =	sadd.s32 $0xFFFFFFFF, s14;
	[sflag:s13] =	ssyncset.done $0x0  }
.LBB2_1:
0x22: {  	p0 =	sne.s32 s14, $0x1;
	s14 =	sadd.s32 $0xFFFFFFFF, s14;
	[sflag:s13] =	ssyncadd.s32 $0xFFFFCC00  }
0x23: {  	[tilespmem:s2], [sflag:$0x1] =	stream.linear.gather [hbm4b:s3+s2], $0x3400, $0x38;
	[tilespmem:$0x6800] =	vst v63  }
0x24: {  	_ = 	snop  }
0x25: {  	[tilespmem:s5], [sflag:$0x2] =	stream.linear.gather [hbm4b:s4+s2], $0x3400, $0x38;
	[tilespmem:$0x6800] =	vst v63  }
0x26: {  	_ =	swait.ge [sflag:s6], $0x3400  }
0x27: {  	[sflag:s6] =	ssyncset.done $0x0  }
0x28: {  	[sflag:s6] =	ssyncadd.s32 $0xFFFFCC00  }
0x29: {  	[hbm4b:s7+s2] =	stream.linear.scatter [tilespmem:s2], [sflag:$0x3], $0x3400, $0x38;
	[tilespmem:$0x6800] =	vst v63  }
0x2a: {  	_ = 	snop  }
0x2b: {  	[hbm4b:s8+s2] =	stream.linear.scatter [tilespmem:s2], [sflag:$0x3], $0x3400, $0x38;
	[tilespmem:$0x6800] =	vst v63  }
0x2c: {  	_ =	swait.ge [sflag:s9], $0x3400  }
0x2d: {  	[sflag:s9] =	ssyncset.done $0x0  }
0x2e: {  	[sflag:s9] =	ssyncadd.s32 $0xFFFFCC00  }
0x2f: {  	[hbm4b:s10+s2] =	stream.linear.scatter [tilespmem:s5], [sflag:$0x4], $0x3400, $0x38;
	[tilespmem:$0x6800] =	vst v63  }
0x30: {  	_ = 	snop  }
0x31: {  	[hbm4b:s11+s2] =	stream.linear.scatter [tilespmem:s5], [sflag:$0x4], $0x3400, $0x38;
	[tilespmem:$0x6800] =	vst v63  }
0x32: {  	_ =	swait.ge [sflag:s12], $0x3400  }
0x33: {  	[sflag:s12] =	ssyncset.done $0x0  }
0x34: {  	[sflag:s12] =	ssyncadd.s32 $0xFFFFCC00  }
0x35: {  	_ =	swait.ge [sflag:s12], $0x3400  }
0x36: {  	[sflag:s12] =	ssyncset.done $0x0  }
0x37: {  	[sflag:s12] =	ssyncadd.s32 $0xFFFFCC00  }
.Ltmp1:
0x38: {  	_ =	swait.ge [sflag:s13], $0x3400;
	(pc) =	sbr.rel @p0 .LBB2_1-.Ltmp1, $4  }
0x39: {  	[sflag:s13] =	ssyncset.done $0x0  }
0x3a: {  	[sflag:s13] =	ssyncadd.s32 $0xFFFFCC00  }
0x3b: {  	_ =	swait.ge [sflag:s13], $0x3400  }
0x3c: {  	[sflag:s13] =	ssyncset.done $0x0  }
.LBB2_2:
0x3d: {  	[sflag:s13] =	ssyncadd.s32 $0xFFFFCC00  }
0x3e: {  	_ =	sfence.sel $0x180000  }
0x3f: {  	[bflag:$0x0] =	sbarrier.arrive $0xFFFF  }
0x40: {  	p0 =	sne.s32 s0, $0x0;
	_ =	strace $0x90000047  }
0x41: {  	s0 =	sadd.s32 @!p0 $0x100000, s1;
	[bflag:$0x2] =	sbarrier.arrive $0xFFFF  }
0x42: {  	[sflag:s0] =	ssyncadd.tile.s32 @!p0 $0x1;
	_ =	shalt  }
.Lfunc_end2:
_tile_overlayer_lowered:
.L_overlay_start_2:
0x43: {  	(tag) =	ssettag $0x2  }
0x44: {  	s0 =	rddreg [dreg:$0x0];
	s2 =	stileid.u32  }
0x45: {  	s1 =	rddreg [dreg:$0x1];
	p0 =	sne.s32 s2, $0x0  }
0x46: {  	s3 =	rddreg [dreg:$0x2];
	[bflag:$0x3] =	sbarrier.arrive $0xFFFF;
	s2 =	simm.s32 @!p0 $0x1C05  }
0x47: {  	[timem:s3], [sflag:s2] =	dma.local @!p0 [hbm:s0], s1  }
0x48: {  	s0 =	simm.s32 @!p0 $0x5  }
0x49: {  	_ =	swait.ge @!p0 [sflag:s0], s1  }
0x4a: {  	s1 =	ssub.s32 @!p0 $0x0, s1;
	[sflag:s0] =	ssyncset.done @!p0 $0x0  }
0x4b: {  	[sflag:s0] =	ssyncadd.s32 @!p0 s1  }
0x4c: {  	[bflag:$0x3] =	sbarrier.arrive $0xFFFF  }
0x4d: {  	_ =	shalt  }

</sc_bundles>
